<compile_context>
chip_gen: v7x
topology: tpu7x:2x2x1
jax: 0.10.2.dev20260603
libtpu: 0.0.44.dev20260713+nightly
codegen_flags: <defaults>
</compile_context>

<pallas_src>
import jax
import jax.numpy as jnp
from jax.experimental import pallas as pl

BLOCK_B = 512


def _body(x_ref, mhi_ref, mlo_ref, o_ref):
    x = x_ref[...].astype(jnp.int32)

    v = x - ((x >> 1) & 0x55555555)
    v = (v & 0x33333333) + ((v >> 2) & 0x33333333)
    v = (v + (v >> 4)) & 0x0F0F0F0F
    p = ((v + (v >> 8)) & 0x1F).astype(jnp.float32)

    tf = x.astype(jnp.float32)
    third = jnp.float32(0.33333334)
    c1 = jnp.zeros_like(tf)
    c2 = jnp.zeros_like(tf)
    for _ in range(10):
        q = jnp.floor((tf + 0.5) * third)
        d = tf - 3.0 * q
        c1 = c1 + (d == 1.0).astype(jnp.float32)
        c2 = c2 + (d == 2.0).astype(jnp.float32)
        tf = q

    ones = jnp.ones_like(tf)
    a = jnp.concatenate([p, c1, c2, ones], axis=1).astype(jnp.bfloat16)
    o = jax.lax.dot_general(
        a, mhi_ref[...], (((1,), (0,)), ((), ())),
        preferred_element_type=jnp.float32,
    )
    o = o + jax.lax.dot_general(
        a, mlo_ref[...], (((1,), (0,)), ((), ())),
        preferred_element_type=jnp.float32,
    )
    o_ref[...] = o


def kernel(input, W2, W3):
    x = input.astype(jnp.int32)
    B, F = x.shape
    D = W2.shape[1]
    f32 = jnp.float32

    zero = jnp.zeros((D,), f32)
    row_p = jnp.concatenate([W2[1] - W2[0], zero])
    row_c1 = jnp.concatenate([zero, W3[1] - W3[0]])
    row_c2 = jnp.concatenate([zero, W3[2] - W3[0]])
    row_b = jnp.concatenate([16.0 * W2[0], 16.0 * W3[0]])
    eye = jnp.eye(F, dtype=f32)

    def blockdiag(row):
        return (eye[:, :, None] * row[None, None, :]).reshape(F, F * 2 * D)

    M = jnp.concatenate(
        [blockdiag(row_p), blockdiag(row_c1), blockdiag(row_c2),
         blockdiag(row_b)], axis=0)
    M_hi = M.astype(jnp.bfloat16)
    M_lo = (M - M_hi.astype(f32)).astype(jnp.bfloat16)

    grid = (B // BLOCK_B,)
    out = pl.pallas_call(
        _body,
        grid=grid,
        in_specs=[
            pl.BlockSpec((BLOCK_B, F), lambda i: (i, 0)),
            pl.BlockSpec((4 * F, F * 2 * D), lambda i: (0, 0)),
            pl.BlockSpec((4 * F, F * 2 * D), lambda i: (0, 0)),
        ],
        out_specs=pl.BlockSpec((BLOCK_B, F * 2 * D), lambda i: (i, 0)),
        out_shape=jax.ShapeDtypeStruct((B, F * 2 * D), f32),
    )(x, M_hi, M_lo)
    return out.reshape(B, F, 2 * D)

# --- scband reference (transcript-rebuilt; emitter-appended) ---
"""Pipeline reference for scband-nary-dis-embedding-30382598652299 (READ-ONLY COPY).

The authoritative reference and input builder live on the scoring server;
editing this copy changes nothing except your own understanding.
"""

import jax, jax.numpy as jnp
import numpy as np

EMBED_DIM = 64
ENCODE_BASES = [2, 3]
BIT_WIDTHS = [16, 16]
BATCH = 16384
FIELDS = 26
MAX_VAL = 59048


def encode_to_nary(x, base, bit_width):
    # x: int tensor of unsigned values; returns [..., bit_width] digits, MSB first
    x = x.astype(jnp.int32)
    digits = []
    for _ in range(bit_width):
        digits.append(jnp.remainder(x, base))
        x = x // base
    return jnp.stack(digits[::-1], axis=-1)


def setup_inputs(seed: int = 0) -> dict:
    key = jax.random.key(seed)
    k_in, k_w2, k_w3 = jax.random.split(key, 3)
    inp = jax.random.randint(k_in, (BATCH, FIELDS), 0, MAX_VAL, dtype=jnp.int32).astype(jnp.int64)
    W2 = jax.random.normal(k_w2, (2, EMBED_DIM), dtype=jnp.float32) * 0.01
    W3 = jax.random.normal(k_w3, (3, EMBED_DIM), dtype=jnp.float32) * 0.01
    return {"input": inp, "W2": W2, "W3": W3}


def reference(input, W2, W3):
    tables = {2: W2, 3: W3}
    nary_embeddings = []
    for base, bit_width in zip(ENCODE_BASES, BIT_WIDTHS):
        nary = encode_to_nary(input, base, bit_width)  # [B, F, bit_width]
        W = tables[base]
        nary_emb = jnp.take(W, nary, axis=0)  # [B, F, bit_width, D]
        nary_emb = nary_emb.sum(axis=-2)  # [B, F, D]
        nary_embeddings.append(nary_emb)
    # reduction == 'concat'
    return jnp.concatenate(nary_embeddings, axis=-1)  # [B, F, 2*D]

if __name__ == "__main__":
    import jax
    _d = setup_inputs()
    print(jax.jit(kernel)(*tuple(_d.values())))

</pallas_src>

<mosaic_0001>
module attributes {stable_mosaic.version = 14 : i64} {
  func.func @_body(%arg0: i32, %arg1: memref<512x26xi32, #tpu.memory_space<vmem>>, %arg2: memref<104x3328xbf16, #tpu.memory_space<vmem>>, %arg3: memref<104x3328xbf16, #tpu.memory_space<vmem>>, %arg4: memref<512x3328xf32, #tpu.memory_space<vmem>>) attributes {dimension_semantics = [#tpu.dimension_semantics<arbitrary>], iteration_bounds = array<i64: 32>, scalar_prefetch = 0 : i64, scratch_operands = 0 : i64, tpu.core_type = #tpu.core_type<tc>, window_params = [{transform_indices = @transform_0, window_bounds = array<i64: 512, 26>}, {pipeline_mode = #tpu.pipeline_mode<synchronous>, transform_indices = @transform_1, window_bounds = array<i64: 104, 3328>}, {pipeline_mode = #tpu.pipeline_mode<synchronous>, transform_indices = @transform_2, window_bounds = array<i64: 104, 3328>}, {transform_indices = @transform_3, window_bounds = array<i64: 512, 3328>}]} {
    %get3A = arith.constant 0 : index
    %get3A_0 = arith.constant 0 : index
    %get3A_1 = vector.load %arg1[%get3A, %get3A_0] : memref<512x26xi32, #tpu.memory_space<vmem>>, vector<512x26xi32>
    %shift_right_arithmetic3A = arith.constant 1 : i32
    %shift_right_arithmetic3A_2 = vector.broadcast %shift_right_arithmetic3A : i32 to vector<512x26xi32>
    %shift_right_arithmetic3A_3 = arith.shrsi %get3A_1, %shift_right_arithmetic3A_2 : vector<512x26xi32>
    %and3A = arith.constant 1431655765 : i32
    %and3A_4 = vector.broadcast %and3A : i32 to vector<512x26xi32>
    %and3A_5 = arith.andi %shift_right_arithmetic3A_3, %and3A_4 : vector<512x26xi32>
    %sub3A = arith.subi %get3A_1, %and3A_5 : vector<512x26xi32>
    %and3A_6 = arith.constant 858993459 : i32
    %and3A_7 = vector.broadcast %and3A_6 : i32 to vector<512x26xi32>
    %and3A_8 = arith.andi %sub3A, %and3A_7 : vector<512x26xi32>
    %shift_right_arithmetic3A_9 = arith.constant 2 : i32
    %shift_right_arithmetic3A_10 = vector.broadcast %shift_right_arithmetic3A_9 : i32 to vector<512x26xi32>
    %shift_right_arithmetic3A_11 = arith.shrsi %sub3A, %shift_right_arithmetic3A_10 : vector<512x26xi32>
    %and3A_12 = arith.constant 858993459 : i32
    %and3A_13 = vector.broadcast %and3A_12 : i32 to vector<512x26xi32>
    %and3A_14 = arith.andi %shift_right_arithmetic3A_11, %and3A_13 : vector<512x26xi32>
    %add3A = arith.addi %and3A_8, %and3A_14 : vector<512x26xi32>
    %shift_right_arithmetic3A_15 = arith.constant 4 : i32
    %shift_right_arithmetic3A_16 = vector.broadcast %shift_right_arithmetic3A_15 : i32 to vector<512x26xi32>
    %shift_right_arithmetic3A_17 = arith.shrsi %add3A, %shift_right_arithmetic3A_16 : vector<512x26xi32>
    %add3A_18 = arith.addi %add3A, %shift_right_arithmetic3A_17 : vector<512x26xi32>
    %and3A_19 = arith.constant 252645135 : i32
    %and3A_20 = vector.broadcast %and3A_19 : i32 to vector<512x26xi32>
    %and3A_21 = arith.andi %add3A_18, %and3A_20 : vector<512x26xi32>
    %shift_right_arithmetic3A_22 = arith.constant 8 : i32
    %shift_right_arithmetic3A_23 = vector.broadcast %shift_right_arithmetic3A_22 : i32 to vector<512x26xi32>
    %shift_right_arithmetic3A_24 = arith.shrsi %and3A_21, %shift_right_arithmetic3A_23 : vector<512x26xi32>
    %add3A_25 = arith.addi %and3A_21, %shift_right_arithmetic3A_24 : vector<512x26xi32>
    %and3A_26 = arith.constant 31 : i32
    %and3A_27 = vector.broadcast %and3A_26 : i32 to vector<512x26xi32>
    %and3A_28 = arith.andi %add3A_25, %and3A_27 : vector<512x26xi32>
    %convert_element_type3A = arith.sitofp %and3A_28 : vector<512x26xi32> to vector<512x26xf32>
    %convert_element_type3A_29 = arith.sitofp %get3A_1 : vector<512x26xi32> to vector<512x26xf32>
    %broadcast_in_dim3A = arith.constant 0.000000e+00 : f32
    %broadcast_in_dim3A_30 = vector.broadcast %broadcast_in_dim3A : f32 to vector<512x26xf32>
    %broadcast_in_dim3A_31 = arith.constant 0.000000e+00 : f32
    %broadcast_in_dim3A_32 = vector.broadcast %broadcast_in_dim3A_31 : f32 to vector<512x26xf32>
    %add3A_33 = arith.constant 5.000000e-01 : f32
    %add3A_34 = vector.broadcast %add3A_33 : f32 to vector<512x26xf32>
    %add3A_35 = arith.addf %convert_element_type3A_29, %add3A_34 : vector<512x26xf32>
    %mul3A = arith.constant 0.333333343 : f32
    %mul3A_36 = vector.broadcast %mul3A : f32 to vector<512x26xf32>
    %mul3A_37 = arith.mulf %add3A_35, %mul3A_36 : vector<512x26xf32>
    %floor3A = math.floor %mul3A_37 : vector<512x26xf32>
    %mul3A_38 = arith.constant 3.000000e+00 : f32
    %mul3A_39 = vector.broadcast %mul3A_38 : f32 to vector<512x26xf32>
    %mul3A_40 = arith.mulf %mul3A_39, %floor3A : vector<512x26xf32>
    %sub3A_41 = arith.subf %convert_element_type3A_29, %mul3A_40 : vector<512x26xf32>
    %eq3A = arith.constant 1.000000e+00 : f32
    %eq3A_42 = vector.broadcast %eq3A : f32 to vector<512x26xf32>
    %eq3A_43 = arith.cmpf oeq, %sub3A_41, %eq3A_42 : vector<512x26xf32>
    %convert_element_type3A_44 = arith.extui %eq3A_43 : vector<512x26xi1> to vector<512x26xi32>
    %convert_element_type3A_45 = arith.sitofp %convert_element_type3A_44 : vector<512x26xi32> to vector<512x26xf32>
    %add3A_46 = arith.addf %broadcast_in_dim3A_30, %convert_element_type3A_45 : vector<512x26xf32>
    %eq3A_47 = arith.constant 2.000000e+00 : f32
    %eq3A_48 = vector.broadcast %eq3A_47 : f32 to vector<512x26xf32>
    %eq3A_49 = arith.cmpf oeq, %sub3A_41, %eq3A_48 : vector<512x26xf32>
    %convert_element_type3A_50 = arith.extui %eq3A_49 : vector<512x26xi1> to vector<512x26xi32>
    %convert_element_type3A_51 = arith.sitofp %convert_element_type3A_50 : vector<512x26xi32> to vector<512x26xf32>
    %add3A_52 = arith.addf %broadcast_in_dim3A_32, %convert_element_type3A_51 : vector<512x26xf32>
    %add3A_53 = arith.constant 5.000000e-01 : f32
    %add3A_54 = vector.broadcast %add3A_53 : f32 to vector<512x26xf32>
    %add3A_55 = arith.addf %floor3A, %add3A_54 : vector<512x26xf32>
    %mul3A_56 = arith.constant 0.333333343 : f32
    %mul3A_57 = vector.broadcast %mul3A_56 : f32 to vector<512x26xf32>
    %mul3A_58 = arith.mulf %add3A_55, %mul3A_57 : vector<512x26xf32>
    %floor3A_59 = math.floor %mul3A_58 : vector<512x26xf32>
    %mul3A_60 = arith.constant 3.000000e+00 : f32
    %mul3A_61 = vector.broadcast %mul3A_60 : f32 to vector<512x26xf32>
    %mul3A_62 = arith.mulf %mul3A_61, %floor3A_59 : vector<512x26xf32>
    %sub3A_63 = arith.subf %floor3A, %mul3A_62 : vector<512x26xf32>
    %eq3A_64 = arith.constant 1.000000e+00 : f32
    %eq3A_65 = vector.broadcast %eq3A_64 : f32 to vector<512x26xf32>
    %eq3A_66 = arith.cmpf oeq, %sub3A_63, %eq3A_65 : vector<512x26xf32>
    %convert_element_type3A_67 = arith.extui %eq3A_66 : vector<512x26xi1> to vector<512x26xi32>
    %convert_element_type3A_68 = arith.sitofp %convert_element_type3A_67 : vector<512x26xi32> to vector<512x26xf32>
    %add3A_69 = arith.addf %add3A_46, %convert_element_type3A_68 : vector<512x26xf32>
    %eq3A_70 = arith.constant 2.000000e+00 : f32
    %eq3A_71 = vector.broadcast %eq3A_70 : f32 to vector<512x26xf32>
    %eq3A_72 = arith.cmpf oeq, %sub3A_63, %eq3A_71 : vector<512x26xf32>
    %convert_element_type3A_73 = arith.extui %eq3A_72 : vector<512x26xi1> to vector<512x26xi32>
    %convert_element_type3A_74 = arith.sitofp %convert_element_type3A_73 : vector<512x26xi32> to vector<512x26xf32>
    %add3A_75 = arith.addf %add3A_52, %convert_element_type3A_74 : vector<512x26xf32>
    %add3A_76 = arith.constant 5.000000e-01 : f32
    %add3A_77 = vector.broadcast %add3A_76 : f32 to vector<512x26xf32>
    %add3A_78 = arith.addf %floor3A_59, %add3A_77 : vector<512x26xf32>
    %mul3A_79 = arith.constant 0.333333343 : f32
    %mul3A_80 = vector.broadcast %mul3A_79 : f32 to vector<512x26xf32>
    %mul3A_81 = arith.mulf %add3A_78, %mul3A_80 : vector<512x26xf32>
    %floor3A_82 = math.floor %mul3A_81 : vector<512x26xf32>
    %mul3A_83 = arith.constant 3.000000e+00 : f32
    %mul3A_84 = vector.broadcast %mul3A_83 : f32 to vector<512x26xf32>
    %mul3A_85 = arith.mulf %mul3A_84, %floor3A_82 : vector<512x26xf32>
    %sub3A_86 = arith.subf %floor3A_59, %mul3A_85 : vector<512x26xf32>
    %eq3A_87 = arith.constant 1.000000e+00 : f32
    %eq3A_88 = vector.broadcast %eq3A_87 : f32 to vector<512x26xf32>
    %eq3A_89 = arith.cmpf oeq, %sub3A_86, %eq3A_88 : vector<512x26xf32>
    %convert_element_type3A_90 = arith.extui %eq3A_89 : vector<512x26xi1> to vector<512x26xi32>
    %convert_element_type3A_91 = arith.sitofp %convert_element_type3A_90 : vector<512x26xi32> to vector<512x26xf32>
    %add3A_92 = arith.addf %add3A_69, %convert_element_type3A_91 : vector<512x26xf32>
    %eq3A_93 = arith.constant 2.000000e+00 : f32
    %eq3A_94 = vector.broadcast %eq3A_93 : f32 to vector<512x26xf32>
    %eq3A_95 = arith.cmpf oeq, %sub3A_86, %eq3A_94 : vector<512x26xf32>
    %convert_element_type3A_96 = arith.extui %eq3A_95 : vector<512x26xi1> to vector<512x26xi32>
    %convert_element_type3A_97 = arith.sitofp %convert_element_type3A_96 : vector<512x26xi32> to vector<512x26xf32>
    %add3A_98 = arith.addf %add3A_75, %convert_element_type3A_97 : vector<512x26xf32>
    %add3A_99 = arith.constant 5.000000e-01 : f32
    %add3A_100 = vector.broadcast %add3A_99 : f32 to vector<512x26xf32>
    %add3A_101 = arith.addf %floor3A_82, %add3A_100 : vector<512x26xf32>
    %mul3A_102 = arith.constant 0.333333343 : f32
    %mul3A_103 = vector.broadcast %mul3A_102 : f32 to vector<512x26xf32>
    %mul3A_104 = arith.mulf %add3A_101, %mul3A_103 : vector<512x26xf32>
    %floor3A_105 = math.floor %mul3A_104 : vector<512x26xf32>
    %mul3A_106 = arith.constant 3.000000e+00 : f32
    %mul3A_107 = vector.broadcast %mul3A_106 : f32 to vector<512x26xf32>
    %mul3A_108 = arith.mulf %mul3A_107, %floor3A_105 : vector<512x26xf32>
    %sub3A_109 = arith.subf %floor3A_82, %mul3A_108 : vector<512x26xf32>
    %eq3A_110 = arith.constant 1.000000e+00 : f32
    %eq3A_111 = vector.broadcast %eq3A_110 : f32 to vector<512x26xf32>
    %eq3A_112 = arith.cmpf oeq, %sub3A_109, %eq3A_111 : vector<512x26xf32>
    %convert_element_type3A_113 = arith.extui %eq3A_112 : vector<512x26xi1> to vector<512x26xi32>
    %convert_element_type3A_114 = arith.sitofp %convert_element_type3A_113 : vector<512x26xi32> to vector<512x26xf32>
    %add3A_115 = arith.addf %add3A_92, %convert_element_type3A_114 : vector<512x26xf32>
    %eq3A_116 = arith.constant 2.000000e+00 : f32
    %eq3A_117 = vector.broadcast %eq3A_116 : f32 to vector<512x26xf32>
    %eq3A_118 = arith.cmpf oeq, %sub3A_109, %eq3A_117 : vector<512x26xf32>
    %convert_element_type3A_119 = arith.extui %eq3A_118 : vector<512x26xi1> to vector<512x26xi32>
    %convert_element_type3A_120 = arith.sitofp %convert_element_type3A_119 : vector<512x26xi32> to vector<512x26xf32>
    %add3A_121 = arith.addf %add3A_98, %convert_element_type3A_120 : vector<512x26xf32>
    %add3A_122 = arith.constant 5.000000e-01 : f32
    %add3A_123 = vector.broadcast %add3A_122 : f32 to vector<512x26xf32>
    %add3A_124 = arith.addf %floor3A_105, %add3A_123 : vector<512x26xf32>
    %mul3A_125 = arith.constant 0.333333343 : f32
    %mul3A_126 = vector.broadcast %mul3A_125 : f32 to vector<512x26xf32>
    %mul3A_127 = arith.mulf %add3A_124, %mul3A_126 : vector<512x26xf32>
    %floor3A_128 = math.floor %mul3A_127 : vector<512x26xf32>
    %mul3A_129 = arith.constant 3.000000e+00 : f32
    %mul3A_130 = vector.broadcast %mul3A_129 : f32 to vector<512x26xf32>
    %mul3A_131 = arith.mulf %mul3A_130, %floor3A_128 : vector<512x26xf32>
    %sub3A_132 = arith.subf %floor3A_105, %mul3A_131 : vector<512x26xf32>
    %eq3A_133 = arith.constant 1.000000e+00 : f32
    %eq3A_134 = vector.broadcast %eq3A_133 : f32 to vector<512x26xf32>
    %eq3A_135 = arith.cmpf oeq, %sub3A_132, %eq3A_134 : vector<512x26xf32>
    %convert_element_type3A_136 = arith.extui %eq3A_135 : vector<512x26xi1> to vector<512x26xi32>
    %convert_element_type3A_137 = arith.sitofp %convert_element_type3A_136 : vector<512x26xi32> to vector<512x26xf32>
    %add3A_138 = arith.addf %add3A_115, %convert_element_type3A_137 : vector<512x26xf32>
    %eq3A_139 = arith.constant 2.000000e+00 : f32
    %eq3A_140 = vector.broadcast %eq3A_139 : f32 to vector<512x26xf32>
    %eq3A_141 = arith.cmpf oeq, %sub3A_132, %eq3A_140 : vector<512x26xf32>
    %convert_element_type3A_142 = arith.extui %eq3A_141 : vector<512x26xi1> to vector<512x26xi32>
    %convert_element_type3A_143 = arith.sitofp %convert_element_type3A_142 : vector<512x26xi32> to vector<512x26xf32>
    %add3A_144 = arith.addf %add3A_121, %convert_element_type3A_143 : vector<512x26xf32>
    %add3A_145 = arith.constant 5.000000e-01 : f32
    %add3A_146 = vector.broadcast %add3A_145 : f32 to vector<512x26xf32>
    %add3A_147 = arith.addf %floor3A_128, %add3A_146 : vector<512x26xf32>
    %mul3A_148 = arith.constant 0.333333343 : f32
    %mul3A_149 = vector.broadcast %mul3A_148 : f32 to vector<512x26xf32>
    %mul3A_150 = arith.mulf %add3A_147, %mul3A_149 : vector<512x26xf32>
    %floor3A_151 = math.floor %mul3A_150 : vector<512x26xf32>
    %mul3A_152 = arith.constant 3.000000e+00 : f32
    %mul3A_153 = vector.broadcast %mul3A_152 : f32 to vector<512x26xf32>
    %mul3A_154 = arith.mulf %mul3A_153, %floor3A_151 : vector<512x26xf32>
    %sub3A_155 = arith.subf %floor3A_128, %mul3A_154 : vector<512x26xf32>
    %eq3A_156 = arith.constant 1.000000e+00 : f32
    %eq3A_157 = vector.broadcast %eq3A_156 : f32 to vector<512x26xf32>
    %eq3A_158 = arith.cmpf oeq, %sub3A_155, %eq3A_157 : vector<512x26xf32>
    %convert_element_type3A_159 = arith.extui %eq3A_158 : vector<512x26xi1> to vector<512x26xi32>
    %convert_element_type3A_160 = arith.sitofp %convert_element_type3A_159 : vector<512x26xi32> to vector<512x26xf32>
    %add3A_161 = arith.addf %add3A_138, %convert_element_type3A_160 : vector<512x26xf32>
    %eq3A_162 = arith.constant 2.000000e+00 : f32
    %eq3A_163 = vector.broadcast %eq3A_162 : f32 to vector<512x26xf32>
    %eq3A_164 = arith.cmpf oeq, %sub3A_155, %eq3A_163 : vector<512x26xf32>
    %convert_element_type3A_165 = arith.extui %eq3A_164 : vector<512x26xi1> to vector<512x26xi32>
    %convert_element_type3A_166 = arith.sitofp %convert_element_type3A_165 : vector<512x26xi32> to vector<512x26xf32>
    %add3A_167 = arith.addf %add3A_144, %convert_element_type3A_166 : vector<512x26xf32>
    %add3A_168 = arith.constant 5.000000e-01 : f32
    %add3A_169 = vector.broadcast %add3A_168 : f32 to vector<512x26xf32>
    %add3A_170 = arith.addf %floor3A_151, %add3A_169 : vector<512x26xf32>
    %mul3A_171 = arith.constant 0.333333343 : f32
    %mul3A_172 = vector.broadcast %mul3A_171 : f32 to vector<512x26xf32>
    %mul3A_173 = arith.mulf %add3A_170, %mul3A_172 : vector<512x26xf32>
    %floor3A_174 = math.floor %mul3A_173 : vector<512x26xf32>
    %mul3A_175 = arith.constant 3.000000e+00 : f32
    %mul3A_176 = vector.broadcast %mul3A_175 : f32 to vector<512x26xf32>
    %mul3A_177 = arith.mulf %mul3A_176, %floor3A_174 : vector<512x26xf32>
    %sub3A_178 = arith.subf %floor3A_151, %mul3A_177 : vector<512x26xf32>
    %eq3A_179 = arith.constant 1.000000e+00 : f32
    %eq3A_180 = vector.broadcast %eq3A_179 : f32 to vector<512x26xf32>
    %eq3A_181 = arith.cmpf oeq, %sub3A_178, %eq3A_180 : vector<512x26xf32>
    %convert_element_type3A_182 = arith.extui %eq3A_181 : vector<512x26xi1> to vector<512x26xi32>
    %convert_element_type3A_183 = arith.sitofp %convert_element_type3A_182 : vector<512x26xi32> to vector<512x26xf32>
    %add3A_184 = arith.addf %add3A_161, %convert_element_type3A_183 : vector<512x26xf32>
    %eq3A_185 = arith.constant 2.000000e+00 : f32
    %eq3A_186 = vector.broadcast %eq3A_185 : f32 to vector<512x26xf32>
    %eq3A_187 = arith.cmpf oeq, %sub3A_178, %eq3A_186 : vector<512x26xf32>
    %convert_element_type3A_188 = arith.extui %eq3A_187 : vector<512x26xi1> to vector<512x26xi32>
    %convert_element_type3A_189 = arith.sitofp %convert_element_type3A_188 : vector<512x26xi32> to vector<512x26xf32>
    %add3A_190 = arith.addf %add3A_167, %convert_element_type3A_189 : vector<512x26xf32>
    %add3A_191 = arith.constant 5.000000e-01 : f32
    %add3A_192 = vector.broadcast %add3A_191 : f32 to vector<512x26xf32>
    %add3A_193 = arith.addf %floor3A_174, %add3A_192 : vector<512x26xf32>
    %mul3A_194 = arith.constant 0.333333343 : f32
    %mul3A_195 = vector.broadcast %mul3A_194 : f32 to vector<512x26xf32>
    %mul3A_196 = arith.mulf %add3A_193, %mul3A_195 : vector<512x26xf32>
    %floor3A_197 = math.floor %mul3A_196 : vector<512x26xf32>
    %mul3A_198 = arith.constant 3.000000e+00 : f32
    %mul3A_199 = vector.broadcast %mul3A_198 : f32 to vector<512x26xf32>
    %mul3A_200 = arith.mulf %mul3A_199, %floor3A_197 : vector<512x26xf32>
    %sub3A_201 = arith.subf %floor3A_174, %mul3A_200 : vector<512x26xf32>
    %eq3A_202 = arith.constant 1.000000e+00 : f32
    %eq3A_203 = vector.broadcast %eq3A_202 : f32 to vector<512x26xf32>
    %eq3A_204 = arith.cmpf oeq, %sub3A_201, %eq3A_203 : vector<512x26xf32>
    %convert_element_type3A_205 = arith.extui %eq3A_204 : vector<512x26xi1> to vector<512x26xi32>
    %convert_element_type3A_206 = arith.sitofp %convert_element_type3A_205 : vector<512x26xi32> to vector<512x26xf32>
    %add3A_207 = arith.addf %add3A_184, %convert_element_type3A_206 : vector<512x26xf32>
    %eq3A_208 = arith.constant 2.000000e+00 : f32
    %eq3A_209 = vector.broadcast %eq3A_208 : f32 to vector<512x26xf32>
    %eq3A_210 = arith.cmpf oeq, %sub3A_201, %eq3A_209 : vector<512x26xf32>
    %convert_element_type3A_211 = arith.extui %eq3A_210 : vector<512x26xi1> to vector<512x26xi32>
    %convert_element_type3A_212 = arith.sitofp %convert_element_type3A_211 : vector<512x26xi32> to vector<512x26xf32>
    %add3A_213 = arith.addf %add3A_190, %convert_element_type3A_212 : vector<512x26xf32>
    %add3A_214 = arith.constant 5.000000e-01 : f32
    %add3A_215 = vector.broadcast %add3A_214 : f32 to vector<512x26xf32>
    %add3A_216 = arith.addf %floor3A_197, %add3A_215 : vector<512x26xf32>
    %mul3A_217 = arith.constant 0.333333343 : f32
    %mul3A_218 = vector.broadcast %mul3A_217 : f32 to vector<512x26xf32>
    %mul3A_219 = arith.mulf %add3A_216, %mul3A_218 : vector<512x26xf32>
    %floor3A_220 = math.floor %mul3A_219 : vector<512x26xf32>
    %mul3A_221 = arith.constant 3.000000e+00 : f32
    %mul3A_222 = vector.broadcast %mul3A_221 : f32 to vector<512x26xf32>
    %mul3A_223 = arith.mulf %mul3A_222, %floor3A_220 : vector<512x26xf32>
    %sub3A_224 = arith.subf %floor3A_197, %mul3A_223 : vector<512x26xf32>
    %eq3A_225 = arith.constant 1.000000e+00 : f32
    %eq3A_226 = vector.broadcast %eq3A_225 : f32 to vector<512x26xf32>
    %eq3A_227 = arith.cmpf oeq, %sub3A_224, %eq3A_226 : vector<512x26xf32>
    %convert_element_type3A_228 = arith.extui %eq3A_227 : vector<512x26xi1> to vector<512x26xi32>
    %convert_element_type3A_229 = arith.sitofp %convert_element_type3A_228 : vector<512x26xi32> to vector<512x26xf32>
    %add3A_230 = arith.addf %add3A_207, %convert_element_type3A_229 : vector<512x26xf32>
    %eq3A_231 = arith.constant 2.000000e+00 : f32
    %eq3A_232 = vector.broadcast %eq3A_231 : f32 to vector<512x26xf32>
    %eq3A_233 = arith.cmpf oeq, %sub3A_224, %eq3A_232 : vector<512x26xf32>
    %convert_element_type3A_234 = arith.extui %eq3A_233 : vector<512x26xi1> to vector<512x26xi32>
    %convert_element_type3A_235 = arith.sitofp %convert_element_type3A_234 : vector<512x26xi32> to vector<512x26xf32>
    %add3A_236 = arith.addf %add3A_213, %convert_element_type3A_235 : vector<512x26xf32>
    %add3A_237 = arith.constant 5.000000e-01 : f32
    %add3A_238 = vector.broadcast %add3A_237 : f32 to vector<512x26xf32>
    %add3A_239 = arith.addf %floor3A_220, %add3A_238 : vector<512x26xf32>
    %mul3A_240 = arith.constant 0.333333343 : f32
    %mul3A_241 = vector.broadcast %mul3A_240 : f32 to vector<512x26xf32>
    %mul3A_242 = arith.mulf %add3A_239, %mul3A_241 : vector<512x26xf32>
    %floor3A_243 = math.floor %mul3A_242 : vector<512x26xf32>
    %mul3A_244 = arith.constant 3.000000e+00 : f32
    %mul3A_245 = vector.broadcast %mul3A_244 : f32 to vector<512x26xf32>
    %mul3A_246 = arith.mulf %mul3A_245, %floor3A_243 : vector<512x26xf32>
    %sub3A_247 = arith.subf %floor3A_220, %mul3A_246 : vector<512x26xf32>
    %eq3A_248 = arith.constant 1.000000e+00 : f32
    %eq3A_249 = vector.broadcast %eq3A_248 : f32 to vector<512x26xf32>
    %eq3A_250 = arith.cmpf oeq, %sub3A_247, %eq3A_249 : vector<512x26xf32>
    %convert_element_type3A_251 = arith.extui %eq3A_250 : vector<512x26xi1> to vector<512x26xi32>
    %convert_element_type3A_252 = arith.sitofp %convert_element_type3A_251 : vector<512x26xi32> to vector<512x26xf32>
    %add3A_253 = arith.addf %add3A_230, %convert_element_type3A_252 : vector<512x26xf32>
    %eq3A_254 = arith.constant 2.000000e+00 : f32
    %eq3A_255 = vector.broadcast %eq3A_254 : f32 to vector<512x26xf32>
    %eq3A_256 = arith.cmpf oeq, %sub3A_247, %eq3A_255 : vector<512x26xf32>
    %convert_element_type3A_257 = arith.extui %eq3A_256 : vector<512x26xi1> to vector<512x26xi32>
    %convert_element_type3A_258 = arith.sitofp %convert_element_type3A_257 : vector<512x26xi32> to vector<512x26xf32>
    %add3A_259 = arith.addf %add3A_236, %convert_element_type3A_258 : vector<512x26xf32>
    %broadcast_in_dim3A_260 = arith.constant 1.000000e+00 : f32
    %broadcast_in_dim3A_261 = vector.broadcast %broadcast_in_dim3A_260 : f32 to vector<512x26xf32>
    %concatenate3A = tpu.concatenate %convert_element_type3A, %add3A_253, %add3A_259, %broadcast_in_dim3A_261 in 1 : vector<512x26xf32>, vector<512x26xf32>, vector<512x26xf32>, vector<512x26xf32> -> vector<512x104xf32>
    %convert_element_type3A_262 = arith.truncf %concatenate3A : vector<512x104xf32> to vector<512x104xbf16>
    %get3A_263 = arith.constant 0 : index
    %get3A_264 = arith.constant 0 : index
    %get3A_265 = vector.load %arg2[%get3A_263, %get3A_264] : memref<104x3328xbf16, #tpu.memory_space<vmem>>, vector<104x3328xbf16>
    %dot_general3A = arith.constant dense<0.000000e+00> : vector<512x3328xf32>
    %dot_general3A_266 = tpu.matmul %convert_element_type3A_262, %get3A_265, %dot_general3A {dimension_numbers = #tpu.dot_dimension_numbers<[1], [0], [0], [1], [0, 0, 1, 1], [], []>, transpose_lhs_hint = false} : vector<512x104xbf16>, vector<104x3328xbf16>, vector<512x3328xf32> -> vector<512x3328xf32>
    %get3A_267 = arith.constant 0 : index
    %get3A_268 = arith.constant 0 : index
    %get3A_269 = vector.load %arg3[%get3A_267, %get3A_268] : memref<104x3328xbf16, #tpu.memory_space<vmem>>, vector<104x3328xbf16>
    %dot_general3A_270 = arith.constant dense<0.000000e+00> : vector<512x3328xf32>
    %dot_general3A_271 = tpu.matmul %convert_element_type3A_262, %get3A_269, %dot_general3A_270 {dimension_numbers = #tpu.dot_dimension_numbers<[1], [0], [0], [1], [0, 0, 1, 1], [], []>, transpose_lhs_hint = false} : vector<512x104xbf16>, vector<104x3328xbf16>, vector<512x3328xf32> -> vector<512x3328xf32>
    %add3A_272 = arith.addf %dot_general3A_266, %dot_general3A_271 : vector<512x3328xf32>
    %swap3A = arith.constant 0 : index
    %swap3A_273 = arith.constant 0 : index
    %swap3A_274 = vector.load %arg4[%swap3A, %swap3A_273] : memref<512x3328xf32, #tpu.memory_space<vmem>>, vector<512x3328xf32>
    tpu.vector_store %arg4[%swap3A, %swap3A_273], %add3A_272 {strides = array<i32>} : memref<512x3328xf32, #tpu.memory_space<vmem>>, vector<512x3328xf32>,
    return
  }
  func.func @transform_0(%arg0: i32) -> (i32, i32) {
    %c0_i32 = arith.constant 0 : i32
    %c0_i32_0 = arith.constant 0 : i32
    return %arg0, %c0_i32 : i32, i32
  }
  func.func @transform_1(%arg0: i32) -> (i32, i32) {
    %c0_i32 = arith.constant 0 : i32
    %c0_i32_0 = arith.constant 0 : i32
    %c0_i32_1 = arith.constant 0 : i32
    return %c0_i32, %c0_i32_0 : i32, i32
  }
  func.func @transform_2(%arg0: i32) -> (i32, i32) {
    %c0_i32 = arith.constant 0 : i32
    %c0_i32_0 = arith.constant 0 : i32
    %c0_i32_1 = arith.constant 0 : i32
    return %c0_i32, %c0_i32_0 : i32, i32
  }
  func.func @transform_3(%arg0: i32) -> (i32, i32) {
    %c0_i32 = arith.constant 0 : i32
    %c0_i32_0 = arith.constant 0 : i32
    return %arg0, %c0_i32 : i32, i32
  }
}

</mosaic_0001>

<sc_bundles>
// kernel: sparse-core-data-format-call.cloned.1.call-start
scs
called_computation_lowered:
.L_overlay_start_0:
0x0: {  	s2 =	sld [smem:$0x3FD9]  }
0x1: {  	s3 =	sld [smem:$0x3FFE];
	_ =	sdelay $0x1  }
0x2: {  	s1 =	srdreg.scid  }
0x3: {  	s0 =	sand.u32 $0x1, s1  }
0x4: {  	s18 =	sshll.u32 s0, $0xA;
	s2 =	sadd.s32 s3, s2  }
0x5: {  	s2 =	sadd.s32 s2, s18  }
0x6: {  	[smem:$0x3FC5] =	sst s2  }
0x7: {  	_ = 	snop  }
0x8: {  	s2 =	sld [smem:$0x3FD0];
	(tm) =	ssettm $0x1  }
0x9: {  	s19 =	sld [smem:$0x3FFB];
	_ =	sdelay $0x3  }
0xa: {  	_ =	strace s19  }
0xb: {  	s3 =	sld [smem:$0x3FFC];
	_ =	sdelay $0x3  }
0xc: {  	_ =	strace s3  }
0xd: {  	s3 =	sld [smem:$0x3FFD];
	_ =	sdelay $0x3  }
0xe: {  	_ =	strace s3  }
0xf: {  	_ =	strace $0x8FFFFFFF  }
0x10: {  	s20 =	sld [smem:$0x3FDB];
	_ =	sdelay $0x1  }
0x11: {  	s4 =	simm.s32 $_scs_section_size  }
0x12: {  	s5 =	simm.s32 $_size__tile_overlayer_lowered;
	s6 =	simm.s32 $_tile_overlayer_lowered  }
0x13: {  	s23 =	simm.s32 $0x1BFF;
	s22 =	sshll.u32 s6, $0x1;
	s3 =	sadd.s32 s4, s20  }
0x14: {  	s7 =	simm.s32 $0x0;
	s21 =	sshll.u32 s5, $0x1;
	s5 =	sadd.s32 s22, s3  }
0x15: {  	[timem:s7], [sflag:s23] =	dma.local [hbm:s5], s21  }
0x16: {  	_ =	swait.ge [sflag:s23], s21  }
0x17: {  	s4 =	ssub.s32 $0x0, s21;
	[sflag:s23] =	ssyncset.done $0x0  }
0x18: {  	[sflag:s23] =	ssyncadd.s32 s4;
	_ =	sdelay $0x1  }
0x19: {  	s24 =	simm.s32 $0x1B8B  }
0x1a: {  	_ =	swait.ge [sflag:s24], $0x1  }
0x1b: {  	[sflag:s24] =	ssyncset.done $0x0  }
0x1c: {  	s26 =	simm.s32 $0x1B8E;
	s25 =	sld [smem:$0x3FFE];
	[sflag:s24] =	ssyncadd.s32 $0xFFFFFFFF  }
0x1d: {  	s27 =	simm.s32 $execute0_lowered;
	[smem:$0x3FD2] =	sst s26  }
0x1e: {  	s5 =	sshll.u32 s27, $0x1;
	_ =	strace $0x80000046;
	[dreg:$0x1] =	wrdreg $0xFFFFFFFF  }
0x1f: {  	s28 =	simm.s32 $_size_execute0_lowered;
	s3 =	sadd.s32 s3, s5;
	[dreg:$0x0] =	wrdreg $0x0  }
0x20: {  	s5 =	sshll.u32 s28, $0x1;
	[dreg:$0x2] =	wrdreg s3  }
0x21: {  	[dreg:$0x3] =	wrdreg s5  }
0x22: {  	[dreg:$0x4] =	wrdreg $0xC0  }
0x23: {  	_ =	task [dreg:s7], $0x5FFFF  }
0x24: {  	[dreg:$0x1] =	wrdreg $0xFFFFFFFF  }
0x25: {  	[dreg:$0x0] =	wrdreg $0x60  }
0x26: {  	[dreg:$0x2] =	wrdreg s25  }
0x27: {  	[dreg:$0x3] =	wrdreg s2  }
0x28: {  	[dreg:$0x4] =	wrdreg $0x9  }
0x29: {  	_ =	task.clear_ibuf [dreg:s7], $0x5FFFF;
	_ =	strace $0x90000046  }
0x2a: {  	s29 =	simm.s32 $0x9;
	_ =	strace $0x80000048  }
0x2b: {  	_ =	swait.ge [sflag:s29], $0x1  }
0x2c: {  	[sflag:s29] =	ssyncadd.s32 $0xFFFFFFFF  }
0x2d: {  	_ =	strace $0x90000048  }
0x2e: {  	_ =	sfence  }
0x2f: {  	s30 =	sld [smem:$0x0];
	_ =	sdelay $0x2  }
0x30: {  	s31 =	sshll.u32 s1, $0xD;
	s1 =	sshrl.u32 s1, $0x2  }
0x31: {  	s3 =	sand.u32 $0x4000, s31;
	s1 =	sadd.s32 s1, s30  }
0x32: {  	s0 =	sor.u32 s3, s0;
	s1 =	sshll.u32 s1, $0x11  }
0x33: {  	s0 =	sor.u32 s1, s0  }
0x34: {  	s0 =	sadd.s32 $0x8F2B, s0  }
0x35: {  	[sflag:s0] =	ssyncadd.remote.s32 $0x1  }
0x36: {  	_ =	sfence.sel $0xFFFF  }
0x37: {  	[dreg:$0x0] =	wrdreg $0xFFFFFFFF;
	(pc) =	sbr.abs _section_cstart, $3  }
0x38: {  	[dreg:$0x1] =	wrdreg $0xFFFFFFFF  }
0x39: {  	_ =	task.clear_ibuf [dreg:s7], $0x2FFFF;
	_ =	strace $0x9FFFFFFF  }
0x3a: {  	(tm) =	ssettm $0x7FFFFFFF  }
0x3b: {  	_ =	shalt  }
tec
execute0_lowered:
.L_overlay_start_1:
0x0: {  	(tag) =	ssettag $0x1  }
0x1: {  	s0 =	srdreg.scid  }
0x2: {  	s1 =	sshll.u32 s0, $0x4  }
0x3: {  	s0 =	stileid.u32;
	s1 =	sand.u32 $0x10, s1  }
0x4: {  	s6 =	rddreg [dreg:$0x0];
	s1 =	sor.u32 s0, s1  }
0x5: {  	s4 =	simm.s32 $0x1;
	s7 =	simm.s32 $0x2;
	s2 =	sshll.u32 s1, $0x7  }
0x6: {  	s14 =	simm.s32 $0x0;
	s12 =	simm.s32 $0x0;
	s1 =	ssub.s32 $0x4000, s2  }
0x7: {  	s13 =	simm.s32 $0x0;
	s9 =	simm.s32 $0x0;
	s3 =	sand.u32 $0xF80, s1  }
0x8: {  	s10 =	simm.s32 $0x0;
	s5 =	sshrl.u32 s1, $0xC;
	p0 =	sne.s32 s3, $0x0  }
.Ltmp0:
0x9: {  	s1 =	rddreg [dreg:$0x2];
	s4 =	simm.s32 @!p0 $0x0;
	(pc) =	sbr.rel .LBB1_1-.Ltmp0, $4  }
0xa: {  	s11 =	simm.s32 $0x0;
	s3 =	rddreg [dreg:$0x1];
	s5 =	sadd.s32 s4, s5  }
0xb: {  	_ =	strace $0x80000047;
	s4 =	simm.s32 $0x1;
	s5 =	smul.u32 $0x1A, s5  }
0xc: {  	s6 =	sadd.s32 $0xA00, s6;
	s8 =	smov.u32 s2;
	[sflag:s4] =	ssyncpa.u1 $0x0  }
0xd: {  	p0 =	por $0x0, $0x0;
	[sflag:s7] =	ssyncpa.u1 $0x0;
	s7 =	sor.u32 $0x1, s5  }
.LBB1_4:
0xe: {  	v5 =	vld [tilespmem:s18+$0xFFFFFFD0];
	[tilespmem:s17+$0x2040 ss:$0x81] =	vst.msk $0xffff, v1  }
0xf: {  	v58 =	vld [tilespmem:s18+$0xFFFFFFE0];
	[tilespmem:s17+$0x2850 ss:$0x81] =	vst.msk $0xffff, v2  }
0x10: {  	s19 =	sshra.s32 s19, $0x2;
	v59 =	vld [tilespmem:s18+$0xFFFFFFF0];
	[tilespmem:s17+$0x3060 ss:$0x81] =	vst.msk $0xffff, v3  }
0x11: {  	v60 =	vld [tilespmem:s18+$0x0];
	[tilespmem:s17+$0x0 ss:$0x81] =	vst.msk $0xffff, v0;
	s16 =	sadd.s32 s19, s16  }
0x12: {  	v61 =	vld [tilespmem:s18+$0x10];
	[tilespmem:s16+$0x3870 ss:$0x81] =	vst.msk $0xffff, v4  }
0x13: {  	v62 =	vld [tilespmem:s18+$0x20];
	s14 =	sshll.u32 s14, $0x7;
	s28 =	sshll.u32 s12, $0x3;
	[tilespmem:s16+$0x810 ss:$0x81] =	vst.msk $0xffff, v5  }
0x14: {  	v63 =	vld [tilespmem:s18+$0xFFFFFFC0];
	s29 =	sand.u32 $0x1FFC00, s14;
	s17 =	sand.u32 $0x1FFC00, s28;
	[tilespmem:s16+$0x1020 ss:$0x81] =	vst.msk $0xffff, v58  }
0x15: {  	s14 =	sand.u32 $0x380, s14;
	s17 =	sadd.s32 s17, s29;
	[tilespmem:s16+$0x1830 ss:$0x81] =	vst.msk $0xffff, v59  }
0x16: {  	s13 =	sshll.u32 s13, $0x12;
	s30 =	sshrl.u32 s12, $0x3;
	s14 =	sor.u32 s14, s17;
	[tilespmem:s16+$0x2040 ss:$0x81] =	vst.msk $0xffff, v60  }
0x17: {  	s13 =	sadd.s32 s3, s13;
	s17 =	sand.u32 $0xF, s30;
	s14 =	sshrl.u32 s14, $0x3;
	[tilespmem:s16+$0x2850 ss:$0x81] =	vst.msk $0xffff, v61  }
0x18: {  	s13 =	sadd.s32 s17, s13;
	[tilespmem:s16+$0x3060 ss:$0x81] =	vst.msk $0xffff, v62;
	s14 =	sand.u32 $0x3FFF0, s14  }
0x19: {  	s31 =	sand.u32 $0x7, s12;
	[tilespmem:s16+$0x0 ss:$0x81] =	vst.msk $0xffff, v63;
	s13 =	sadd.s32 s14, s13  }
0x1a: {  	[hbm4b:s13+s31] =	stream.linear.scatter [tilespmem:s15], [sflag:$0x2], $0x4000, $0x20;
	[tilespmem:$0x10100] =	vst v63  }
.LBB1_5:
0x1b: {  	s15 =	sadd.s32 $0x1000, s8  }
0x1c: {  	s12 =	sadd.s32 $0x80, s9;
	s16 =	smov.u32 s9;
	p2 =	sgt.s32 s15, $0x3FFF  }
0x1d: {  	s16 =	smov.u32 @p2 s12  }
0x1e: {  	s12 =	simm.s32 $0x1;
	p3 =	sgt.s32 s16, $0x7F  }
0x1f: {  	s12 =	simm.s32 @!p3 $0x0  }
0x20: {  	s18 =	sadd.s32 s12, s10  }
0x21: {  	s15 =	smov.u32 @p2 s2;
	p2 =	sgt.s32 s18, $0x19  }
0x22: {  	p1 =	slt.u32 s11, $0x2;
	s18 =	simm.s32 @p2 $0x0;
	p2 =	sne.s32 s11, s7  }
.Ltmp1:
0x23: {  	s17 =	simm.s32 @!p1 $0x2;
	(pc) =	sbr.rel @!p2 .LBB1_6-.Ltmp1, $4  }
0x24: {  	s14 =	smov.u32 s8;
	s13 =	smov.u32 s10;
	_ =	swait.ge @!p1 [sflag:s17], $0x4000  }
0x25: {  	p0 =	por !p0, !p0;
	[sflag:s17] =	ssyncset.done @!p1 $0x0;
	s8 =	smov.u32 s15  }
0x26: {  	s16 =	simm.s32 @p3 $0x0;
	[sflag:s17] =	ssyncadd.s32 @!p1 $0xFFFFC000;
	s12 =	smov.u32 s9  }
0x27: {  	s9 =	smov.u32 s16;
	s11 =	sadd.s32 $0x1, s11;
	s10 =	smov.u32 s18  }
.LBB1_1:
0x28: {  	p1 =	sge.u32 s11, s5;
	s31 =	sadd.s32 $0xFFFFFFFF, s11  }
0x29: {  	s15 =	sxor.u32 @!p1 $0xFFFFFFFF, s11;
	s16 =	sand.u32 @!p1 $0x78, s8;
	s17 =	sshll.u32 @!p1 s9, $0xE  }
0x2a: {  	s18 =	sshll.u32 @!p1 s9, $0x7;
	s19 =	sshll.u32 @!p1 s8, $0x3;
	s15 =	sshll.u32 @!p1 s15, $0xE  }
0x2b: {  	s17 =	sand.u32 @!p1 $0x1E0000, s17;
	s18 =	sand.u32 @!p1 $0x380, s18;
	s15 =	sand.u32 @!p1 $0x4000, s15  }
0x2c: {  	s17 =	sadd.s32 @!p1 s17, s19;
	s19 =	sand.u32 @!p1 $0x3C00, s19;
	s16 =	sor.u32 @!p1 s18, s16  }
0x2d: {  	s18 =	sshll.u32 @!p1 s10, $0x12;
	s16 =	sor.u32 @!p1 s19, s16;
	s17 =	sshrl.u32 @!p1 s17, $0x3  }
0x2e: {  	s18 =	sadd.s32 @!p1 s6, s18;
	s19 =	sand.u32 @!p1 $0x7, s8;
	s17 =	sand.u32 @!p1 $0x3F800, s17  }
0x2f: {  	s16 =	sshrl.u32 @!p1 s16, $0x3;
	s17 =	sadd.s32 @!p1 s17, s18;
	s18 =	sshll.u32 @!p1 s19, $0x12  }
0x30: {  	s16 =	sadd.s32 @!p1 s16, s17;
	s17 =	sor.u32 @!p1 $0x400, s18;
	s18 =	simm.s32 @!p1 $0x20000  }
0x31: {  	[tilespmem:s15], [sflag:$0x1] =	stream.strided.gather @!p1 [hbm4b:s16+s17], $0x4000, s18, s17, $0x38;
	[tilespmem:$0x10100] =	vst v63  }
0x32: {  	p1 =	sge.u32 s31, s5  }
.Ltmp2:
0x33: {  	_ = 	snop;
	(pc) =	sbr.rel @p1 .LBB1_5-.Ltmp2, $1  }
0x34: {  	_ =	sdelay $0x3  }
0x35: {  	s15 =	simm.s32 $0x1  }
0x36: {  	_ =	swait.ge [sflag:s4], $0x4000;
	s15 =	simm.s32 @!p0 $0x0  }
0x37: {  	[sflag:s4] =	ssyncset.done $0x0;
	s16 =	sshll.u32 s15, $0xE  }
0x38: {  	[sflag:s4] =	ssyncadd.s32 $0xFFFFC000;
	s18 =	sor.u32 $0x40, s16  }
0x39: {  	s15 =	smul.u32 $0x10200, s15;
	v0 =	vld [tilespmem:s18+$0x30]  }
0x3a: {  	v3 =	vld [tilespmem:s18+$0xFFFFFFD0]  }
0x3b: {  	s15 =	sshrl.u32 s15, $0x2;
	v4 =	vld [tilespmem:s18+$0xFFFFFFE0]  }
0x3c: {  	v5 =	vld [tilespmem:s18+$0xFFFFFFF0];
	s16 =	sor.u32 $0x8000, s15  }
0x3d: {  	s31 =	sand.u32 $0x1, s11;
	v1 =	vld [tilespmem:s18+$0x0];
	s17 =	sadd.s32 $0x0, s16  }
0x3e: {  	v2 =	vld [tilespmem:s18+$0x10];
	s15 =	smul.u32 $0x10200, s31;
	[tilespmem:s17+$0x3870 ss:$0x81] =	vst.msk $0xffff, v0  }
0x3f: {  	[tilespmem:s17+$0x810 ss:$0x81] =	vst.msk $0xffff, v3;
	v3 =	vld [tilespmem:s18+$0x20]  }
0x40: {  	s15 =	sshrl.u32 s15, $0x2;
	v0 =	vld [tilespmem:s18+$0xFFFFFFC0];
	[tilespmem:s17+$0x1020 ss:$0x81] =	vst.msk $0xffff, v4;
	s18 =	sadd.s32 $0x80, s18  }
0x41: {  	s19 =	simm.s32 $0x4;
	s20 =	simm.s32 $0x8;
	s15 =	sor.u32 $0x8000, s15;
	[tilespmem:s17+$0x1830 ss:$0x81] =	vst.msk $0xffff, v5;
	v4 =	vld [tilespmem:s18+$0x30]  }
.LBB1_3:
0x42: {  	p1 =	sne.s32 s20, $0x1FC;
	v5 =	vld [tilespmem:s18+$0xFFFFFFD0];
	[tilespmem:s17+$0x2040 ss:$0x81] =	vst.msk $0xffff, v1  }
0x43: {  	v6 =	vld [tilespmem:s18+$0xFFFFFFE0];
	[tilespmem:s17+$0x2850 ss:$0x81] =	vst.msk $0xffff, v2  }
0x44: {  	s21 =	sshra.s32 s19, $0x2;
	s19 =	smov.u32 s20;
	v7 =	vld [tilespmem:s18+$0xFFFFFFF0];
	[tilespmem:s17+$0x3060 ss:$0x81] =	vst.msk $0xffff, v3  }
.Ltmp3:
0x45: {  	v1 =	vld [tilespmem:s18+$0x0];
	[tilespmem:s17+$0x0 ss:$0x81] =	vst.msk $0xffff, v0;
	s17 =	sadd.s32 s21, s16;
	(pc) =	sbr.rel @p1 .LBB1_3-.Ltmp3, $4  }
0x46: {  	v2 =	vld [tilespmem:s18+$0x10];
	[tilespmem:s17+$0x3870 ss:$0x81] =	vst.msk $0xffff, v4  }
0x47: {  	[tilespmem:s17+$0x810 ss:$0x81] =	vst.msk $0xffff, v5;
	v3 =	vld [tilespmem:s18+$0x20]  }
0x48: {  	v0 =	vld [tilespmem:s18+$0xFFFFFFC0];
	[tilespmem:s17+$0x1020 ss:$0x81] =	vst.msk $0xffff, v6;
	s18 =	sadd.s32 $0x80, s18  }
0x49: {  	s20 =	sadd.s32 $0x4, s20;
	v4 =	vld [tilespmem:s18+$0x30];
	[tilespmem:s17+$0x1830 ss:$0x81] =	vst.msk $0xffff, v7  }
.Ltmp4:
0x4a: {  	_ = 	snop;
	(pc) =	sbr.rel .LBB1_4-.Ltmp4, $1  }
0x4b: {  	_ =	sdelay $0x3  }
.LBB1_6:
0x4c: {  	_ =	sfence.sel $0x180000  }
0x4d: {  	s2 =	simm.s32 $0x1;
	[bflag:$0x0] =	sbarrier.arrive $0xFFFF  }
0x4e: {  	s31 =	simm.s32 $0x2;
	[sflag:s2] =	ssyncpa.u1 $0x1  }
0x4f: {  	[sflag:s31] =	ssyncpa.u1 $0x1  }
0x50: {  	p0 =	sne.s32 s0, $0x0;
	_ =	strace $0x90000047  }
0x51: {  	s0 =	sadd.s32 @!p0 $0x100000, s1;
	[bflag:$0x2] =	sbarrier.arrive $0xFFFF  }
0x52: {  	[sflag:s0] =	ssyncadd.tile.s32 @!p0 $0x1;
	_ =	shalt  }
.Lfunc_end1:
_tile_overlayer_lowered:
.L_overlay_start_2:
0x53: {  	(tag) =	ssettag $0x2  }
0x54: {  	s0 =	rddreg [dreg:$0x0];
	s2 =	stileid.u32  }
0x55: {  	s1 =	rddreg [dreg:$0x1];
	p0 =	sne.s32 s2, $0x0  }
0x56: {  	s3 =	rddreg [dreg:$0x2];
	[bflag:$0x3] =	sbarrier.arrive $0xFFFF;
	s2 =	simm.s32 @!p0 $0x1C01  }
0x57: {  	[timem:s3], [sflag:s2] =	dma.local @!p0 [hbm:s0], s1  }
0x58: {  	s0 =	simm.s32 @!p0 $0x1  }
0x59: {  	_ =	swait.ge @!p0 [sflag:s0], s1  }
0x5a: {  	s1 =	ssub.s32 @!p0 $0x0, s1;
	[sflag:s0] =	ssyncset.done @!p0 $0x0  }
0x5b: {  	[sflag:s0] =	ssyncadd.s32 @!p0 s1  }
0x5c: {  	[bflag:$0x3] =	sbarrier.arrive $0xFFFF  }
0x5d: {  	_ =	shalt  }

</sc_bundles>
